<compile_context>
chip_gen: v7x
topology: tpu7x:2x2x1
jax: 0.10.2.dev20260603
libtpu: 0.0.44.dev20260713+nightly
codegen_flags: <defaults>
</compile_context>

<pallas_src>
import functools

import jax
import jax.numpy as jnp
from jax import lax
from jax.experimental import pallas as pl
from jax.experimental.pallas import tpu as pltpu
from jax.experimental.pallas import tpu_sc as plsc

D = 128
B = 16384
NC = 2
NS = 16
NW = NC * NS
B_PER_W = B // NW

CHUNK_SIZES = (32, 96, 128, 128, 96, 32)
CHUNK_OFFS = (0, 32, 128, 256, 384, 480)
N_CHUNKS = len(CHUNK_SIZES)


def _gather_body(te_hbm, t_hbm, out_hbm, idx_v, rows_v, gsem, ssem):
    wid = lax.axis_index("s") * NC + lax.axis_index("c")
    base = wid * B_PER_W
    pltpu.sync_copy(t_hbm.at[pl.ds(base, B_PER_W)], idx_v)

    def gather(j):
        return pltpu.async_copy(
            te_hbm.at[idx_v.at[pl.ds(CHUNK_OFFS[j], CHUNK_SIZES[j])]],
            rows_v.at[pl.ds(CHUNK_OFFS[j], CHUNK_SIZES[j])],
            gsem,
        )

    def scatter(j):
        return pltpu.async_copy(
            rows_v.at[pl.ds(CHUNK_OFFS[j], CHUNK_SIZES[j])],
            out_hbm.at[pl.ds(base + CHUNK_OFFS[j], CHUNK_SIZES[j])],
            ssem,
        )

    gathers = {j: gather(j) for j in range(min(2, N_CHUNKS))}
    scatters = []
    for j in range(N_CHUNKS):
        gathers[j].wait()
        if j + 2 < N_CHUNKS:
            gathers[j + 2] = gather(j + 2)
        scatters.append(scatter(j))
    for s in scatters:
        s.wait()


@jax.jit
def kernel(te, t):
    mesh = plsc.VectorSubcoreMesh(core_axis_name="c", subcore_axis_name="s")
    run = functools.partial(
        pl.kernel,
        out_type=jax.ShapeDtypeStruct((B, D), jnp.float32),
        mesh=mesh,
        scratch_types=[
            pltpu.VMEM((B_PER_W,), jnp.int32),
            pltpu.VMEM((B_PER_W, D), jnp.float32),
            pltpu.SemaphoreType.DMA,
            pltpu.SemaphoreType.DMA,
        ],
    )(_gather_body)
    return run(te, t)

# --- scband reference (transcript-rebuilt; emitter-appended) ---
"""Pipeline reference for scband-time-encoding-42193758716342 (READ-ONLY COPY).

The authoritative reference and input builder live on the scoring server;
editing this copy changes nothing except your own understanding.
"""

import jax, jax.numpy as jnp
import numpy as np

T = 100000
T_EMBD = 128
BATCH = 16384


def _build_te(T: int, t_embd: int) -> np.ndarray:
    te = np.zeros((T, t_embd), dtype=np.float32)
    t = np.arange(T, dtype=np.float32)[:, None]
    div_term = 10000.0 ** (np.arange(0, t_embd, 2, dtype=np.float32) / t_embd)
    te[:, 0::2] = np.sin(t / div_term)
    te[:, 1::2] = np.cos(t / div_term)
    return te


def setup_inputs(seed: int = 0) -> dict:
    key = jax.random.key(seed)
    t = jax.random.randint(key, (BATCH,), 0, T, dtype=jnp.int64 if jax.config.read('jax_enable_x64') else jnp.int32)
    te = jnp.asarray(_build_te(T, T_EMBD))
    return {"te": te, "t": t}


def reference(te, t):
    # Faithful translation of TimeEncoding.forward: buffer gather te[t]
    return jnp.take(te, t, axis=0)

if __name__ == "__main__":
    import jax
    _d = setup_inputs()
    print(jax.jit(kernel)(*tuple(_d.values())))

</pallas_src>

<mosaic_0001>
#map = affine_map<(d0, d1) -> (0, 0)>
#map1 = affine_map<(d0, d1) -> (0)>
module attributes {stable_mosaic.version = 14 : i64} {
  func.func @_gather_body(%arg0: i32, %arg1: i32, %arg2: memref<100000x128xf32, #tpu.memory_space<hbm>>, %arg3: memref<16384xi32, #tpu.memory_space<hbm>>, %arg4: memref<16384x128xf32, #tpu.memory_space<hbm>>, %arg5: memref<512xi32, #tpu.memory_space<vmem>>, %arg6: memref<512x128xf32, #tpu.memory_space<vmem>>, %arg7: memref<!tpu.dma_semaphore, #tpu.memory_space<semaphore_mem>>, %arg8: memref<!tpu.dma_semaphore, #tpu.memory_space<semaphore_mem>>) attributes {dimension_semantics = [#tpu.dimension_semantics<core_parallel>, #tpu.dimension_semantics<subcore_parallel>], iteration_bounds = array<i64: 2, 16>, scalar_prefetch = 0 : i64, scratch_operands = 4 : i64, tpu.core_type = #tpu.core_type<sc_vector_subcore>, window_params = [{transform_indices = #map}, {transform_indices = #map1}, {transform_indices = #map}]} {
    %mul3A = arith.constant 2 : i32
    %mul3A_0 = arith.muli %arg1, %mul3A : i32
    %add3A = arith.addi %mul3A_0, %arg0 : i32
    %mul3A_1 = arith.constant 512 : i32
    %mul3A_2 = arith.muli %add3A, %mul3A_1 : i32
    "tpu.region"() ({
      %run_scoped3A = tpu.sem_alloc : memref<!tpu.dma_semaphore, #tpu.memory_space<semaphore_mem>>
      %dma_start3A_229 = tpu.memref_slice %arg3[%mul3A_2] : memref<16384xi32, #tpu.memory_space<hbm>> -> memref<512xi32, #tpu.memory_space<hbm>>
      %dma_start3A_230 = tpu.memref_slice %arg3[%mul3A_2] : memref<16384xi32, #tpu.memory_space<hbm>> -> memref<512xi32, #tpu.memory_space<hbm>>
      tpu.enqueue_dma source(%dma_start3A_230 : memref<512xi32, #tpu.memory_space<hbm>>) target(%arg5 : memref<512xi32, #tpu.memory_space<vmem>>) target_semaphore(%run_scoped3A : memref<!tpu.dma_semaphore, #tpu.memory_space<semaphore_mem>>)
      %dma_wait3A_231 = tpu.memref_slice %arg3[%mul3A_2] : memref<16384xi32, #tpu.memory_space<hbm>> -> memref<512xi32, #tpu.memory_space<hbm>>
      %dma_wait3A_232 = tpu.memref_slice %arg3[%mul3A_2] : memref<16384xi32, #tpu.memory_space<hbm>> -> memref<512xi32, #tpu.memory_space<hbm>>
      tpu.wait_dma2 semaphore(%run_scoped3A : memref<!tpu.dma_semaphore, #tpu.memory_space<semaphore_mem>>) src(%dma_wait3A_232 : memref<512xi32, #tpu.memory_space<hbm>>) dst(%arg5 : memref<512xi32, #tpu.memory_space<vmem>>)
      tpu.yield
    }) : () -> ()
    %dma_start3A = arith.constant 0 : i32
    %dma_start3A_3 = arith.constant 0 : i32
    %dma_start3A_4 = tpu.memref_slice %arg6[%dma_start3A, %dma_start3A_3] : memref<512x128xf32, #tpu.memory_space<vmem>> -> memref<32x128xf32, #tpu.memory_space<vmem>>
    %dma_start3A_5 = arith.constant 0 : i32
    %dma_start3A_6 = tpu.memref_slice %arg5[%dma_start3A_5] : memref<512xi32, #tpu.memory_space<vmem>> -> memref<32xi32, #tpu.memory_space<vmem>>
    %dma_start3A_7 = arith.constant 0 : i32
    %dma_start3A_8 = arith.constant 0 : i32
    %dma_start3A_9 = tpu.memref_slice %arg2[%dma_start3A_7, %dma_start3A_8] : memref<100000x128xf32, #tpu.memory_space<hbm>> -> memref<100000x128xf32, #tpu.memory_space<hbm>>
    tpu.enqueue_indirect_dma source(%dma_start3A_9 : memref<100000x128xf32, #tpu.memory_space<hbm>>) target(%dma_start3A_4 : memref<32x128xf32, #tpu.memory_space<vmem>>) offsets(%dma_start3A_6 : memref<32xi32, #tpu.memory_space<vmem>>) semaphore(%arg7 : memref<!tpu.dma_semaphore, #tpu.memory_space<semaphore_mem>>)
    %dma_start3A_10 = arith.constant 32 : i32
    %dma_start3A_11 = arith.constant 0 : i32
    %dma_start3A_12 = tpu.memref_slice %arg6[%dma_start3A_10, %dma_start3A_11] : memref<512x128xf32, #tpu.memory_space<vmem>> -> memref<96x128xf32, #tpu.memory_space<vmem>>
    %dma_start3A_13 = arith.constant 32 : i32
    %dma_start3A_14 = tpu.memref_slice %arg5[%dma_start3A_13] : memref<512xi32, #tpu.memory_space<vmem>> -> memref<96xi32, #tpu.memory_space<vmem>>
    %dma_start3A_15 = arith.constant 0 : i32
    %dma_start3A_16 = arith.constant 0 : i32
    %dma_start3A_17 = tpu.memref_slice %arg2[%dma_start3A_15, %dma_start3A_16] : memref<100000x128xf32, #tpu.memory_space<hbm>> -> memref<100000x128xf32, #tpu.memory_space<hbm>>
    tpu.enqueue_indirect_dma source(%dma_start3A_17 : memref<100000x128xf32, #tpu.memory_space<hbm>>) target(%dma_start3A_12 : memref<96x128xf32, #tpu.memory_space<vmem>>) offsets(%dma_start3A_14 : memref<96xi32, #tpu.memory_space<vmem>>) semaphore(%arg7 : memref<!tpu.dma_semaphore, #tpu.memory_space<semaphore_mem>>)
    %dma_wait3A = arith.constant 0 : i32
    %dma_wait3A_18 = arith.constant 0 : i32
    %dma_wait3A_19 = tpu.memref_slice %arg6[%dma_wait3A, %dma_wait3A_18] : memref<512x128xf32, #tpu.memory_space<vmem>> -> memref<32x128xf32, #tpu.memory_space<vmem>>
    %dma_wait3A_20 = arith.constant 0 : i32
    %dma_wait3A_21 = tpu.memref_slice %arg5[%dma_wait3A_20] : memref<512xi32, #tpu.memory_space<vmem>> -> memref<32xi32, #tpu.memory_space<vmem>>
    %dma_wait3A_22 = arith.constant 0 : i32
    %dma_wait3A_23 = arith.constant 0 : i32
    %dma_wait3A_24 = tpu.memref_slice %arg2[%dma_wait3A_22, %dma_wait3A_23] : memref<100000x128xf32, #tpu.memory_space<hbm>> -> memref<100000x128xf32, #tpu.memory_space<hbm>>
    tpu.wait_indirect_dma semaphore(%arg7 : memref<!tpu.dma_semaphore, #tpu.memory_space<semaphore_mem>>) src(%dma_wait3A_24 : memref<100000x128xf32, #tpu.memory_space<hbm>>) dst(%dma_wait3A_19 : memref<32x128xf32, #tpu.memory_space<vmem>>)
    %dma_start3A_25 = arith.constant 128 : i32
    %dma_start3A_26 = arith.constant 0 : i32
    %dma_start3A_27 = tpu.memref_slice %arg6[%dma_start3A_25, %dma_start3A_26] : memref<512x128xf32, #tpu.memory_space<vmem>> -> memref<128x128xf32, #tpu.memory_space<vmem>>
    %dma_start3A_28 = arith.constant 128 : i32
    %dma_start3A_29 = tpu.memref_slice %arg5[%dma_start3A_28] : memref<512xi32, #tpu.memory_space<vmem>> -> memref<128xi32, #tpu.memory_space<vmem>>
    %dma_start3A_30 = arith.constant 0 : i32
    %dma_start3A_31 = arith.constant 0 : i32
    %dma_start3A_32 = tpu.memref_slice %arg2[%dma_start3A_30, %dma_start3A_31] : memref<100000x128xf32, #tpu.memory_space<hbm>> -> memref<100000x128xf32, #tpu.memory_space<hbm>>
    tpu.enqueue_indirect_dma source(%dma_start3A_32 : memref<100000x128xf32, #tpu.memory_space<hbm>>) target(%dma_start3A_27 : memref<128x128xf32, #tpu.memory_space<vmem>>) offsets(%dma_start3A_29 : memref<128xi32, #tpu.memory_space<vmem>>) semaphore(%arg7 : memref<!tpu.dma_semaphore, #tpu.memory_space<semaphore_mem>>)
    %add3A_33 = arith.constant 0 : i32
    %add3A_34 = arith.addi %mul3A_2, %add3A_33 : i32
    %dma_start3A_35 = arith.constant 0 : i32
    %dma_start3A_36 = arith.constant 0 : i32
    %dma_start3A_37 = tpu.memref_slice %arg6[%dma_start3A_35, %dma_start3A_36] : memref<512x128xf32, #tpu.memory_space<vmem>> -> memref<32x128xf32, #tpu.memory_space<vmem>>
    %dma_start3A_38 = arith.constant 0 : i32
    %dma_start3A_39 = tpu.memref_slice %arg4[%add3A_34, %dma_start3A_38] : memref<16384x128xf32, #tpu.memory_space<hbm>> -> memref<32x128xf32, #tpu.memory_space<hbm>>
    %dma_start3A_40 = arith.constant 0 : i32
    %dma_start3A_41 = tpu.memref_slice %arg4[%add3A_34, %dma_start3A_40] : memref<16384x128xf32, #tpu.memory_space<hbm>> -> memref<32x128xf32, #tpu.memory_space<hbm>>
    %dma_start3A_42 = arith.constant 0 : i32
    %dma_start3A_43 = arith.constant 0 : i32
    %dma_start3A_44 = tpu.memref_slice %arg6[%dma_start3A_42, %dma_start3A_43] : memref<512x128xf32, #tpu.memory_space<vmem>> -> memref<32x128xf32, #tpu.memory_space<vmem>>
    tpu.enqueue_dma source(%dma_start3A_44 : memref<32x128xf32, #tpu.memory_space<vmem>>) target(%dma_start3A_41 : memref<32x128xf32, #tpu.memory_space<hbm>>) target_semaphore(%arg8 : memref<!tpu.dma_semaphore, #tpu.memory_space<semaphore_mem>>)
    %dma_wait3A_45 = arith.constant 32 : i32
    %dma_wait3A_46 = arith.constant 0 : i32
    %dma_wait3A_47 = tpu.memref_slice %arg6[%dma_wait3A_45, %dma_wait3A_46] : memref<512x128xf32, #tpu.memory_space<vmem>> -> memref<96x128xf32, #tpu.memory_space<vmem>>
    %dma_wait3A_48 = arith.constant 32 : i32
    %dma_wait3A_49 = tpu.memref_slice %arg5[%dma_wait3A_48] : memref<512xi32, #tpu.memory_space<vmem>> -> memref<96xi32, #tpu.memory_space<vmem>>
    %dma_wait3A_50 = arith.constant 0 : i32
    %dma_wait3A_51 = arith.constant 0 : i32
    %dma_wait3A_52 = tpu.memref_slice %arg2[%dma_wait3A_50, %dma_wait3A_51] : memref<100000x128xf32, #tpu.memory_space<hbm>> -> memref<100000x128xf32, #tpu.memory_space<hbm>>
    tpu.wait_indirect_dma semaphore(%arg7 : memref<!tpu.dma_semaphore, #tpu.memory_space<semaphore_mem>>) src(%dma_wait3A_52 : memref<100000x128xf32, #tpu.memory_space<hbm>>) dst(%dma_wait3A_47 : memref<96x128xf32, #tpu.memory_space<vmem>>)
    %dma_start3A_53 = arith.constant 256 : i32
    %dma_start3A_54 = arith.constant 0 : i32
    %dma_start3A_55 = tpu.memref_slice %arg6[%dma_start3A_53, %dma_start3A_54] : memref<512x128xf32, #tpu.memory_space<vmem>> -> memref<128x128xf32, #tpu.memory_space<vmem>>
    %dma_start3A_56 = arith.constant 256 : i32
    %dma_start3A_57 = tpu.memref_slice %arg5[%dma_start3A_56] : memref<512xi32, #tpu.memory_space<vmem>> -> memref<128xi32, #tpu.memory_space<vmem>>
    %dma_start3A_58 = arith.constant 0 : i32
    %dma_start3A_59 = arith.constant 0 : i32
    %dma_start3A_60 = tpu.memref_slice %arg2[%dma_start3A_58, %dma_start3A_59] : memref<100000x128xf32, #tpu.memory_space<hbm>> -> memref<100000x128xf32, #tpu.memory_space<hbm>>
    tpu.enqueue_indirect_dma source(%dma_start3A_60 : memref<100000x128xf32, #tpu.memory_space<hbm>>) target(%dma_start3A_55 : memref<128x128xf32, #tpu.memory_space<vmem>>) offsets(%dma_start3A_57 : memref<128xi32, #tpu.memory_space<vmem>>) semaphore(%arg7 : memref<!tpu.dma_semaphore, #tpu.memory_space<semaphore_mem>>)
    %add3A_61 = arith.constant 32 : i32
    %add3A_62 = arith.addi %mul3A_2, %add3A_61 : i32
    %dma_start3A_63 = arith.constant 32 : i32
    %dma_start3A_64 = arith.constant 0 : i32
    %dma_start3A_65 = tpu.memref_slice %arg6[%dma_start3A_63, %dma_start3A_64] : memref<512x128xf32, #tpu.memory_space<vmem>> -> memref<96x128xf32, #tpu.memory_space<vmem>>
    %dma_start3A_66 = arith.constant 0 : i32
    %dma_start3A_67 = tpu.memref_slice %arg4[%add3A_62, %dma_start3A_66] : memref<16384x128xf32, #tpu.memory_space<hbm>> -> memref<96x128xf32, #tpu.memory_space<hbm>>
    %dma_start3A_68 = arith.constant 0 : i32
    %dma_start3A_69 = tpu.memref_slice %arg4[%add3A_62, %dma_start3A_68] : memref<16384x128xf32, #tpu.memory_space<hbm>> -> memref<96x128xf32, #tpu.memory_space<hbm>>
    %dma_start3A_70 = arith.constant 32 : i32
    %dma_start3A_71 = arith.constant 0 : i32
    %dma_start3A_72 = tpu.memref_slice %arg6[%dma_start3A_70, %dma_start3A_71] : memref<512x128xf32, #tpu.memory_space<vmem>> -> memref<96x128xf32, #tpu.memory_space<vmem>>
    tpu.enqueue_dma source(%dma_start3A_72 : memref<96x128xf32, #tpu.memory_space<vmem>>) target(%dma_start3A_69 : memref<96x128xf32, #tpu.memory_space<hbm>>) target_semaphore(%arg8 : memref<!tpu.dma_semaphore, #tpu.memory_space<semaphore_mem>>)
    %dma_wait3A_73 = arith.constant 128 : i32
    %dma_wait3A_74 = arith.constant 0 : i32
    %dma_wait3A_75 = tpu.memref_slice %arg6[%dma_wait3A_73, %dma_wait3A_74] : memref<512x128xf32, #tpu.memory_space<vmem>> -> memref<128x128xf32, #tpu.memory_space<vmem>>
    %dma_wait3A_76 = arith.constant 128 : i32
    %dma_wait3A_77 = tpu.memref_slice %arg5[%dma_wait3A_76] : memref<512xi32, #tpu.memory_space<vmem>> -> memref<128xi32, #tpu.memory_space<vmem>>
    %dma_wait3A_78 = arith.constant 0 : i32
    %dma_wait3A_79 = arith.constant 0 : i32
    %dma_wait3A_80 = tpu.memref_slice %arg2[%dma_wait3A_78, %dma_wait3A_79] : memref<100000x128xf32, #tpu.memory_space<hbm>> -> memref<100000x128xf32, #tpu.memory_space<hbm>>
    tpu.wait_indirect_dma semaphore(%arg7 : memref<!tpu.dma_semaphore, #tpu.memory_space<semaphore_mem>>) src(%dma_wait3A_80 : memref<100000x128xf32, #tpu.memory_space<hbm>>) dst(%dma_wait3A_75 : memref<128x128xf32, #tpu.memory_space<vmem>>)
    %dma_start3A_81 = arith.constant 384 : i32
    %dma_start3A_82 = arith.constant 0 : i32
    %dma_start3A_83 = tpu.memref_slice %arg6[%dma_start3A_81, %dma_start3A_82] : memref<512x128xf32, #tpu.memory_space<vmem>> -> memref<96x128xf32, #tpu.memory_space<vmem>>
    %dma_start3A_84 = arith.constant 384 : i32
    %dma_start3A_85 = tpu.memref_slice %arg5[%dma_start3A_84] : memref<512xi32, #tpu.memory_space<vmem>> -> memref<96xi32, #tpu.memory_space<vmem>>
    %dma_start3A_86 = arith.constant 0 : i32
    %dma_start3A_87 = arith.constant 0 : i32
    %dma_start3A_88 = tpu.memref_slice %arg2[%dma_start3A_86, %dma_start3A_87] : memref<100000x128xf32, #tpu.memory_space<hbm>> -> memref<100000x128xf32, #tpu.memory_space<hbm>>
    tpu.enqueue_indirect_dma source(%dma_start3A_88 : memref<100000x128xf32, #tpu.memory_space<hbm>>) target(%dma_start3A_83 : memref<96x128xf32, #tpu.memory_space<vmem>>) offsets(%dma_start3A_85 : memref<96xi32, #tpu.memory_space<vmem>>) semaphore(%arg7 : memref<!tpu.dma_semaphore, #tpu.memory_space<semaphore_mem>>)
    %add3A_89 = arith.constant 128 : i32
    %add3A_90 = arith.addi %mul3A_2, %add3A_89 : i32
    %dma_start3A_91 = arith.constant 128 : i32
    %dma_start3A_92 = arith.constant 0 : i32
    %dma_start3A_93 = tpu.memref_slice %arg6[%dma_start3A_91, %dma_start3A_92] : memref<512x128xf32, #tpu.memory_space<vmem>> -> memref<128x128xf32, #tpu.memory_space<vmem>>
    %dma_start3A_94 = arith.constant 0 : i32
    %dma_start3A_95 = tpu.memref_slice %arg4[%add3A_90, %dma_start3A_94] : memref<16384x128xf32, #tpu.memory_space<hbm>> -> memref<128x128xf32, #tpu.memory_space<hbm>>
    %dma_start3A_96 = arith.constant 0 : i32
    %dma_start3A_97 = tpu.memref_slice %arg4[%add3A_90, %dma_start3A_96] : memref<16384x128xf32, #tpu.memory_space<hbm>> -> memref<128x128xf32, #tpu.memory_space<hbm>>
    %dma_start3A_98 = arith.constant 128 : i32
    %dma_start3A_99 = arith.constant 0 : i32
    %dma_start3A_100 = tpu.memref_slice %arg6[%dma_start3A_98, %dma_start3A_99] : memref<512x128xf32, #tpu.memory_space<vmem>> -> memref<128x128xf32, #tpu.memory_space<vmem>>
    tpu.enqueue_dma source(%dma_start3A_100 : memref<128x128xf32, #tpu.memory_space<vmem>>) target(%dma_start3A_97 : memref<128x128xf32, #tpu.memory_space<hbm>>) target_semaphore(%arg8 : memref<!tpu.dma_semaphore, #tpu.memory_space<semaphore_mem>>)
    %dma_wait3A_101 = arith.constant 256 : i32
    %dma_wait3A_102 = arith.constant 0 : i32
    %dma_wait3A_103 = tpu.memref_slice %arg6[%dma_wait3A_101, %dma_wait3A_102] : memref<512x128xf32, #tpu.memory_space<vmem>> -> memref<128x128xf32, #tpu.memory_space<vmem>>
    %dma_wait3A_104 = arith.constant 256 : i32
    %dma_wait3A_105 = tpu.memref_slice %arg5[%dma_wait3A_104] : memref<512xi32, #tpu.memory_space<vmem>> -> memref<128xi32, #tpu.memory_space<vmem>>
    %dma_wait3A_106 = arith.constant 0 : i32
    %dma_wait3A_107 = arith.constant 0 : i32
    %dma_wait3A_108 = tpu.memref_slice %arg2[%dma_wait3A_106, %dma_wait3A_107] : memref<100000x128xf32, #tpu.memory_space<hbm>> -> memref<100000x128xf32, #tpu.memory_space<hbm>>
    tpu.wait_indirect_dma semaphore(%arg7 : memref<!tpu.dma_semaphore, #tpu.memory_space<semaphore_mem>>) src(%dma_wait3A_108 : memref<100000x128xf32, #tpu.memory_space<hbm>>) dst(%dma_wait3A_103 : memref<128x128xf32, #tpu.memory_space<vmem>>)
    %dma_start3A_109 = arith.constant 480 : i32
    %dma_start3A_110 = arith.constant 0 : i32
    %dma_start3A_111 = tpu.memref_slice %arg6[%dma_start3A_109, %dma_start3A_110] : memref<512x128xf32, #tpu.memory_space<vmem>> -> memref<32x128xf32, #tpu.memory_space<vmem>>
    %dma_start3A_112 = arith.constant 480 : i32
    %dma_start3A_113 = tpu.memref_slice %arg5[%dma_start3A_112] : memref<512xi32, #tpu.memory_space<vmem>> -> memref<32xi32, #tpu.memory_space<vmem>>
    %dma_start3A_114 = arith.constant 0 : i32
    %dma_start3A_115 = arith.constant 0 : i32
    %dma_start3A_116 = tpu.memref_slice %arg2[%dma_start3A_114, %dma_start3A_115] : memref<100000x128xf32, #tpu.memory_space<hbm>> -> memref<100000x128xf32, #tpu.memory_space<hbm>>
    tpu.enqueue_indirect_dma source(%dma_start3A_116 : memref<100000x128xf32, #tpu.memory_space<hbm>>) target(%dma_start3A_111 : memref<32x128xf32, #tpu.memory_space<vmem>>) offsets(%dma_start3A_113 : memref<32xi32, #tpu.memory_space<vmem>>) semaphore(%arg7 : memref<!tpu.dma_semaphore, #tpu.memory_space<semaphore_mem>>)
    %add3A_117 = arith.constant 256 : i32
    %add3A_118 = arith.addi %mul3A_2, %add3A_117 : i32
    %dma_start3A_119 = arith.constant 256 : i32
    %dma_start3A_120 = arith.constant 0 : i32
    %dma_start3A_121 = tpu.memref_slice %arg6[%dma_start3A_119, %dma_start3A_120] : memref<512x128xf32, #tpu.memory_space<vmem>> -> memref<128x128xf32, #tpu.memory_space<vmem>>
    %dma_start3A_122 = arith.constant 0 : i32
    %dma_start3A_123 = tpu.memref_slice %arg4[%add3A_118, %dma_start3A_122] : memref<16384x128xf32, #tpu.memory_space<hbm>> -> memref<128x128xf32, #tpu.memory_space<hbm>>
    %dma_start3A_124 = arith.constant 0 : i32
    %dma_start3A_125 = tpu.memref_slice %arg4[%add3A_118, %dma_start3A_124] : memref<16384x128xf32, #tpu.memory_space<hbm>> -> memref<128x128xf32, #tpu.memory_space<hbm>>
    %dma_start3A_126 = arith.constant 256 : i32
    %dma_start3A_127 = arith.constant 0 : i32
    %dma_start3A_128 = tpu.memref_slice %arg6[%dma_start3A_126, %dma_start3A_127] : memref<512x128xf32, #tpu.memory_space<vmem>> -> memref<128x128xf32, #tpu.memory_space<vmem>>
    tpu.enqueue_dma source(%dma_start3A_128 : memref<128x128xf32, #tpu.memory_space<vmem>>) target(%dma_start3A_125 : memref<128x128xf32, #tpu.memory_space<hbm>>) target_semaphore(%arg8 : memref<!tpu.dma_semaphore, #tpu.memory_space<semaphore_mem>>)
    %dma_wait3A_129 = arith.constant 384 : i32
    %dma_wait3A_130 = arith.constant 0 : i32
    %dma_wait3A_131 = tpu.memref_slice %arg6[%dma_wait3A_129, %dma_wait3A_130] : memref<512x128xf32, #tpu.memory_space<vmem>> -> memref<96x128xf32, #tpu.memory_space<vmem>>
    %dma_wait3A_132 = arith.constant 384 : i32
    %dma_wait3A_133 = tpu.memref_slice %arg5[%dma_wait3A_132] : memref<512xi32, #tpu.memory_space<vmem>> -> memref<96xi32, #tpu.memory_space<vmem>>
    %dma_wait3A_134 = arith.constant 0 : i32
    %dma_wait3A_135 = arith.constant 0 : i32
    %dma_wait3A_136 = tpu.memref_slice %arg2[%dma_wait3A_134, %dma_wait3A_135] : memref<100000x128xf32, #tpu.memory_space<hbm>> -> memref<100000x128xf32, #tpu.memory_space<hbm>>
    tpu.wait_indirect_dma semaphore(%arg7 : memref<!tpu.dma_semaphore, #tpu.memory_space<semaphore_mem>>) src(%dma_wait3A_136 : memref<100000x128xf32, #tpu.memory_space<hbm>>) dst(%dma_wait3A_131 : memref<96x128xf32, #tpu.memory_space<vmem>>)
    %add3A_137 = arith.constant 384 : i32
    %add3A_138 = arith.addi %mul3A_2, %add3A_137 : i32
    %dma_start3A_139 = arith.constant 384 : i32
    %dma_start3A_140 = arith.constant 0 : i32
    %dma_start3A_141 = tpu.memref_slice %arg6[%dma_start3A_139, %dma_start3A_140] : memref<512x128xf32, #tpu.memory_space<vmem>> -> memref<96x128xf32, #tpu.memory_space<vmem>>
    %dma_start3A_142 = arith.constant 0 : i32
    %dma_start3A_143 = tpu.memref_slice %arg4[%add3A_138, %dma_start3A_142] : memref<16384x128xf32, #tpu.memory_space<hbm>> -> memref<96x128xf32, #tpu.memory_space<hbm>>
    %dma_start3A_144 = arith.constant 0 : i32
    %dma_start3A_145 = tpu.memref_slice %arg4[%add3A_138, %dma_start3A_144] : memref<16384x128xf32, #tpu.memory_space<hbm>> -> memref<96x128xf32, #tpu.memory_space<hbm>>
    %dma_start3A_146 = arith.constant 384 : i32
    %dma_start3A_147 = arith.constant 0 : i32
    %dma_start3A_148 = tpu.memref_slice %arg6[%dma_start3A_146, %dma_start3A_147] : memref<512x128xf32, #tpu.memory_space<vmem>> -> memref<96x128xf32, #tpu.memory_space<vmem>>
    tpu.enqueue_dma source(%dma_start3A_148 : memref<96x128xf32, #tpu.memory_space<vmem>>) target(%dma_start3A_145 : memref<96x128xf32, #tpu.memory_space<hbm>>) target_semaphore(%arg8 : memref<!tpu.dma_semaphore, #tpu.memory_space<semaphore_mem>>)
    %dma_wait3A_149 = arith.constant 480 : i32
    %dma_wait3A_150 = arith.constant 0 : i32
    %dma_wait3A_151 = tpu.memref_slice %arg6[%dma_wait3A_149, %dma_wait3A_150] : memref<512x128xf32, #tpu.memory_space<vmem>> -> memref<32x128xf32, #tpu.memory_space<vmem>>
    %dma_wait3A_152 = arith.constant 480 : i32
    %dma_wait3A_153 = tpu.memref_slice %arg5[%dma_wait3A_152] : memref<512xi32, #tpu.memory_space<vmem>> -> memref<32xi32, #tpu.memory_space<vmem>>
    %dma_wait3A_154 = arith.constant 0 : i32
    %dma_wait3A_155 = arith.constant 0 : i32
    %dma_wait3A_156 = tpu.memref_slice %arg2[%dma_wait3A_154, %dma_wait3A_155] : memref<100000x128xf32, #tpu.memory_space<hbm>> -> memref<100000x128xf32, #tpu.memory_space<hbm>>
    tpu.wait_indirect_dma semaphore(%arg7 : memref<!tpu.dma_semaphore, #tpu.memory_space<semaphore_mem>>) src(%dma_wait3A_156 : memref<100000x128xf32, #tpu.memory_space<hbm>>) dst(%dma_wait3A_151 : memref<32x128xf32, #tpu.memory_space<vmem>>)
    %add3A_157 = arith.constant 480 : i32
    %add3A_158 = arith.addi %mul3A_2, %add3A_157 : i32
    %dma_start3A_159 = arith.constant 480 : i32
    %dma_start3A_160 = arith.constant 0 : i32
    %dma_start3A_161 = tpu.memref_slice %arg6[%dma_start3A_159, %dma_start3A_160] : memref<512x128xf32, #tpu.memory_space<vmem>> -> memref<32x128xf32, #tpu.memory_space<vmem>>
    %dma_start3A_162 = arith.constant 0 : i32
    %dma_start3A_163 = tpu.memref_slice %arg4[%add3A_158, %dma_start3A_162] : memref<16384x128xf32, #tpu.memory_space<hbm>> -> memref<32x128xf32, #tpu.memory_space<hbm>>
    %dma_start3A_164 = arith.constant 0 : i32
    %dma_start3A_165 = tpu.memref_slice %arg4[%add3A_158, %dma_start3A_164] : memref<16384x128xf32, #tpu.memory_space<hbm>> -> memref<32x128xf32, #tpu.memory_space<hbm>>
    %dma_start3A_166 = arith.constant 480 : i32
    %dma_start3A_167 = arith.constant 0 : i32
    %dma_start3A_168 = tpu.memref_slice %arg6[%dma_start3A_166, %dma_start3A_167] : memref<512x128xf32, #tpu.memory_space<vmem>> -> memref<32x128xf32, #tpu.memory_space<vmem>>
    tpu.enqueue_dma source(%dma_start3A_168 : memref<32x128xf32, #tpu.memory_space<vmem>>) target(%dma_start3A_165 : memref<32x128xf32, #tpu.memory_space<hbm>>) target_semaphore(%arg8 : memref<!tpu.dma_semaphore, #tpu.memory_space<semaphore_mem>>)
    %dma_wait3A_169 = arith.constant 0 : i32
    %dma_wait3A_170 = arith.constant 0 : i32
    %dma_wait3A_171 = tpu.memref_slice %arg6[%dma_wait3A_169, %dma_wait3A_170] : memref<512x128xf32, #tpu.memory_space<vmem>> -> memref<32x128xf32, #tpu.memory_space<vmem>>
    %dma_wait3A_172 = arith.constant 0 : i32
    %dma_wait3A_173 = tpu.memref_slice %arg4[%add3A_34, %dma_wait3A_172] : memref<16384x128xf32, #tpu.memory_space<hbm>> -> memref<32x128xf32, #tpu.memory_space<hbm>>
    %dma_wait3A_174 = arith.constant 0 : i32
    %dma_wait3A_175 = tpu.memref_slice %arg4[%add3A_34, %dma_wait3A_174] : memref<16384x128xf32, #tpu.memory_space<hbm>> -> memref<32x128xf32, #tpu.memory_space<hbm>>
    %dma_wait3A_176 = arith.constant 0 : i32
    %dma_wait3A_177 = arith.constant 0 : i32
    %dma_wait3A_178 = tpu.memref_slice %arg6[%dma_wait3A_176, %dma_wait3A_177] : memref<512x128xf32, #tpu.memory_space<vmem>> -> memref<32x128xf32, #tpu.memory_space<vmem>>
    tpu.wait_dma2 semaphore(%arg8 : memref<!tpu.dma_semaphore, #tpu.memory_space<semaphore_mem>>) src(%dma_wait3A_178 : memref<32x128xf32, #tpu.memory_space<vmem>>) dst(%dma_wait3A_175 : memref<32x128xf32, #tpu.memory_space<hbm>>)
    %dma_wait3A_179 = arith.constant 32 : i32
    %dma_wait3A_180 = arith.constant 0 : i32
    %dma_wait3A_181 = tpu.memref_slice %arg6[%dma_wait3A_179, %dma_wait3A_180] : memref<512x128xf32, #tpu.memory_space<vmem>> -> memref<96x128xf32, #tpu.memory_space<vmem>>
    %dma_wait3A_182 = arith.constant 0 : i32
    %dma_wait3A_183 = tpu.memref_slice %arg4[%add3A_62, %dma_wait3A_182] : memref<16384x128xf32, #tpu.memory_space<hbm>> -> memref<96x128xf32, #tpu.memory_space<hbm>>
    %dma_wait3A_184 = arith.constant 0 : i32
    %dma_wait3A_185 = tpu.memref_slice %arg4[%add3A_62, %dma_wait3A_184] : memref<16384x128xf32, #tpu.memory_space<hbm>> -> memref<96x128xf32, #tpu.memory_space<hbm>>
    %dma_wait3A_186 = arith.constant 32 : i32
    %dma_wait3A_187 = arith.constant 0 : i32
    %dma_wait3A_188 = tpu.memref_slice %arg6[%dma_wait3A_186, %dma_wait3A_187] : memref<512x128xf32, #tpu.memory_space<vmem>> -> memref<96x128xf32, #tpu.memory_space<vmem>>
    tpu.wait_dma2 semaphore(%arg8 : memref<!tpu.dma_semaphore, #tpu.memory_space<semaphore_mem>>) src(%dma_wait3A_188 : memref<96x128xf32, #tpu.memory_space<vmem>>) dst(%dma_wait3A_185 : memref<96x128xf32, #tpu.memory_space<hbm>>)
    %dma_wait3A_189 = arith.constant 128 : i32
    %dma_wait3A_190 = arith.constant 0 : i32
    %dma_wait3A_191 = tpu.memref_slice %arg6[%dma_wait3A_189, %dma_wait3A_190] : memref<512x128xf32, #tpu.memory_space<vmem>> -> memref<128x128xf32, #tpu.memory_space<vmem>>
    %dma_wait3A_192 = arith.constant 0 : i32
    %dma_wait3A_193 = tpu.memref_slice %arg4[%add3A_90, %dma_wait3A_192] : memref<16384x128xf32, #tpu.memory_space<hbm>> -> memref<128x128xf32, #tpu.memory_space<hbm>>
    %dma_wait3A_194 = arith.constant 0 : i32
    %dma_wait3A_195 = tpu.memref_slice %arg4[%add3A_90, %dma_wait3A_194] : memref<16384x128xf32, #tpu.memory_space<hbm>> -> memref<128x128xf32, #tpu.memory_space<hbm>>
    %dma_wait3A_196 = arith.constant 128 : i32
    %dma_wait3A_197 = arith.constant 0 : i32
    %dma_wait3A_198 = tpu.memref_slice %arg6[%dma_wait3A_196, %dma_wait3A_197] : memref<512x128xf32, #tpu.memory_space<vmem>> -> memref<128x128xf32, #tpu.memory_space<vmem>>
    tpu.wait_dma2 semaphore(%arg8 : memref<!tpu.dma_semaphore, #tpu.memory_space<semaphore_mem>>) src(%dma_wait3A_198 : memref<128x128xf32, #tpu.memory_space<vmem>>) dst(%dma_wait3A_195 : memref<128x128xf32, #tpu.memory_space<hbm>>)
    %dma_wait3A_199 = arith.constant 256 : i32
    %dma_wait3A_200 = arith.constant 0 : i32
    %dma_wait3A_201 = tpu.memref_slice %arg6[%dma_wait3A_199, %dma_wait3A_200] : memref<512x128xf32, #tpu.memory_space<vmem>> -> memref<128x128xf32, #tpu.memory_space<vmem>>
    %dma_wait3A_202 = arith.constant 0 : i32
    %dma_wait3A_203 = tpu.memref_slice %arg4[%add3A_118, %dma_wait3A_202] : memref<16384x128xf32, #tpu.memory_space<hbm>> -> memref<128x128xf32, #tpu.memory_space<hbm>>
    %dma_wait3A_204 = arith.constant 0 : i32
    %dma_wait3A_205 = tpu.memref_slice %arg4[%add3A_118, %dma_wait3A_204] : memref<16384x128xf32, #tpu.memory_space<hbm>> -> memref<128x128xf32, #tpu.memory_space<hbm>>
    %dma_wait3A_206 = arith.constant 256 : i32
    %dma_wait3A_207 = arith.constant 0 : i32
    %dma_wait3A_208 = tpu.memref_slice %arg6[%dma_wait3A_206, %dma_wait3A_207] : memref<512x128xf32, #tpu.memory_space<vmem>> -> memref<128x128xf32, #tpu.memory_space<vmem>>
    tpu.wait_dma2 semaphore(%arg8 : memref<!tpu.dma_semaphore, #tpu.memory_space<semaphore_mem>>) src(%dma_wait3A_208 : memref<128x128xf32, #tpu.memory_space<vmem>>) dst(%dma_wait3A_205 : memref<128x128xf32, #tpu.memory_space<hbm>>)
    %dma_wait3A_209 = arith.constant 384 : i32
    %dma_wait3A_210 = arith.constant 0 : i32
    %dma_wait3A_211 = tpu.memref_slice %arg6[%dma_wait3A_209, %dma_wait3A_210] : memref<512x128xf32, #tpu.memory_space<vmem>> -> memref<96x128xf32, #tpu.memory_space<vmem>>
    %dma_wait3A_212 = arith.constant 0 : i32
    %dma_wait3A_213 = tpu.memref_slice %arg4[%add3A_138, %dma_wait3A_212] : memref<16384x128xf32, #tpu.memory_space<hbm>> -> memref<96x128xf32, #tpu.memory_space<hbm>>
    %dma_wait3A_214 = arith.constant 0 : i32
    %dma_wait3A_215 = tpu.memref_slice %arg4[%add3A_138, %dma_wait3A_214] : memref<16384x128xf32, #tpu.memory_space<hbm>> -> memref<96x128xf32, #tpu.memory_space<hbm>>
    %dma_wait3A_216 = arith.constant 384 : i32
    %dma_wait3A_217 = arith.constant 0 : i32
    %dma_wait3A_218 = tpu.memref_slice %arg6[%dma_wait3A_216, %dma_wait3A_217] : memref<512x128xf32, #tpu.memory_space<vmem>> -> memref<96x128xf32, #tpu.memory_space<vmem>>
    tpu.wait_dma2 semaphore(%arg8 : memref<!tpu.dma_semaphore, #tpu.memory_space<semaphore_mem>>) src(%dma_wait3A_218 : memref<96x128xf32, #tpu.memory_space<vmem>>) dst(%dma_wait3A_215 : memref<96x128xf32, #tpu.memory_space<hbm>>)
    %dma_wait3A_219 = arith.constant 480 : i32
    %dma_wait3A_220 = arith.constant 0 : i32
    %dma_wait3A_221 = tpu.memref_slice %arg6[%dma_wait3A_219, %dma_wait3A_220] : memref<512x128xf32, #tpu.memory_space<vmem>> -> memref<32x128xf32, #tpu.memory_space<vmem>>
    %dma_wait3A_222 = arith.constant 0 : i32
    %dma_wait3A_223 = tpu.memref_slice %arg4[%add3A_158, %dma_wait3A_222] : memref<16384x128xf32, #tpu.memory_space<hbm>> -> memref<32x128xf32, #tpu.memory_space<hbm>>
    %dma_wait3A_224 = arith.constant 0 : i32
    %dma_wait3A_225 = tpu.memref_slice %arg4[%add3A_158, %dma_wait3A_224] : memref<16384x128xf32, #tpu.memory_space<hbm>> -> memref<32x128xf32, #tpu.memory_space<hbm>>
    %dma_wait3A_226 = arith.constant 480 : i32
    %dma_wait3A_227 = arith.constant 0 : i32
    %dma_wait3A_228 = tpu.memref_slice %arg6[%dma_wait3A_226, %dma_wait3A_227] : memref<512x128xf32, #tpu.memory_space<vmem>> -> memref<32x128xf32, #tpu.memory_space<vmem>>
    tpu.wait_dma2 semaphore(%arg8 : memref<!tpu.dma_semaphore, #tpu.memory_space<semaphore_mem>>) src(%dma_wait3A_228 : memref<32x128xf32, #tpu.memory_space<vmem>>) dst(%dma_wait3A_225 : memref<32x128xf32, #tpu.memory_space<hbm>>)
    return
  }
}

</mosaic_0001>

<sc_bundles>
// kernel: kernel.3.cloned.1.call-start
scs
__scs_entry_jumppad:
0x0: {  	(pc) =	sbr.rel $0x88, $3  }
0x1: {  	(tag) =	ssettag $0x0;
	lr =	simm.s32 $0x1  }
0x2: {  	[smem:$0x3F9F] =	sst lr;
	_ =	strace $0xD0000000  }
0x3: {  	_ = 	snop  }
0x4: {  	_ = 	snop  }
0x5: {  	_ = 	snop  }
0x6: {  	_ = 	snop  }
0x7: {  	_ = 	snop  }
__scs_overlays_trampoline_lowered:
0x8: {  	[smem:$0x3FAE] =	sst s0  }
0x9: {  	[smem:$0x3FAF] =	sst s1  }
0xa: {  	[smem:$0x3FB0] =	sst s2  }
0xb: {  	[smem:$0x3FB1] =	sst s3  }
0xc: {  	[smem:$0x3FB2] =	sst s4  }
0xd: {  	[smem:$0x3FB3] =	sst s5  }
0xe: {  	[smem:$0x3FB4] =	sst s6  }
0xf: {  	[smem:$0x3FB5] =	sst s7  }
0x10: {  	[smem:$0x3FB6] =	sst s8  }
0x11: {  	[smem:$0x3FB7] =	sst s9;
	s0 =	simm.s32 @!p0 $0x0  }
0x12: {  	s1 =	sld [smem:$0x3F9D];
	s0 =	simm.s32 @p0 $0x1  }
0x13: {  	[smem:$0x3FB8] =	sst s0;
	s0 =	simm.s32 @!p1 $0x0  }
0x14: {  	s2 =	sld [smem:$0x3F9C];
	s0 =	simm.s32 @p1 $0x1  }
0x15: {  	[smem:$0x3FB9] =	sst s0;
	s0 =	simm.s32 @!p2 $0x0  }
0x16: {  	s3 =	sld [smem:$0x3FDB];
	s0 =	simm.s32 @p2 $0x1  }
0x17: {  	s4 =	simm.s32 $0x1BF5;
	[smem:$0x3FBB] =	sst s0  }
0x18: {  	s0 =	sld [smem:$0x3F9E];
	_ =	swait.ge [sflag:s4], $0x0  }
0x19: {  	s7 =	sld [smem:$0x3F9F]  }
0x1a: {  	s8 =	sadd.s32 $0xFFFFE003, lr  }
0x1b: {  	s9 =	sadd.s32 $0xFFFFFEF7, lr;
	s5 =	simm.s32 $0xFFFFFFFF;
	p2 =	slt.u32 s8, $0xFFFFF086  }
0x1c: {  	p1 =	slt.u32 s9, $0xF7A;
	s5 =	simm.s32 @!p2 $0x0  }
0x1d: {  	s5 =	simm.s32 @p1 $0x1;
	p0 =	seq.s32 s7, s2  }
0x1e: {  	s7 =	smul.u32 @!p0 $0xF7A, s2;
	p2 =	seq.s32 @!p0 s5, $0x0  }
0x1f: {  	s9 =	smul.u32 $0xF7A, s1;
	s8 =	simm.s32 @!p0 $0x1BF5;
	p2 =	por !p2, p0  }
0x20: {  	[sflag:s8] =	ssyncset.s32 @!p0 $0xFFFFF086;
	s6 =	sadd.s32 @!p0 s3, s7;
	s7 =	simm.s32 @!p0 $0x108  }
0x21: {  	s3 =	sadd.s32 s3, s9;
	s6 =	sadd.s32 @!p0 $0x88, s6;
	s7 =	simm.s32 @p2 $0x1082  }
0x22: {  	[simem:s7], [sflag:s8] =	dma.local @!p0 [hbm:s6], $0xF7A  }
0x23: {  	s9 =	sor.u32 $0xD0000000, s2;
	s6 =	simm.s32 $0x108;
	_ =	swait.ge @!p0 [sflag:s8], $0x0  }
0x24: {  	s3 =	sadd.s32 $0x88, s3;
	s6 =	simm.s32 @!p1 $0x1082;
	[sflag:s4] =	ssyncset.s32 $0xFFFFF086  }
0x25: {  	[simem:s6], [sflag:s4] =	dma.local [hbm:s3], $0xF7A  }
0x26: {  	[smem:$0x3F9F] =	sst s1;
	(tag) =	ssettag s2;
	_ =	strace s9  }
0x27: {  	s1 =	sld [smem:$0x3FAF]  }
0x28: {  	s2 =	sld [smem:$0x3FB0]  }
0x29: {  	s4 =	sld [smem:$0x3FB2]  }
0x2a: {  	p0 =	seq.s32 s5, $0x0;
	s5 =	sld [smem:$0x3FB3]  }
0x2b: {  	s6 =	sld [smem:$0x3FB4]  }
0x2c: {  	s7 =	sld [smem:$0x3FB5]  }
0x2d: {  	s3 =	simm.s32 $0x108;
	s8 =	sld [smem:$0x3FB6]  }
0x2e: {  	s3 =	simm.s32 @!p0 $0x1082;
	s9 =	sld [smem:$0x3FB7]  }
0x2f: {  	lr =	sadd.s32 s0, s3;
	s0 =	sld [smem:$0x3FAE]  }
0x30: {  	s3 =	sld [smem:$0x3FB1]  }
0x31: {  	[smem:$0x3FBA] =	sst s10  }
0x32: {  	s10 =	sld [smem:$0x3FB8];
	_ =	sdelay $0x3  }
0x33: {  	p0 =	seq.s32 s10, $0x1;
	s10 =	sld [smem:$0x3FBA];
	_ =	sdelay $0x3  }
0x34: {  	[smem:$0x3FBA] =	sst s10  }
0x35: {  	s10 =	sld [smem:$0x3FB9];
	_ =	sdelay $0x3  }
0x36: {  	p1 =	seq.s32 s10, $0x1;
	s10 =	sld [smem:$0x3FBA];
	_ =	sdelay $0x3  }
0x37: {  	[smem:$0x3FBA] =	sst s10  }
0x38: {  	s10 =	sld [smem:$0x3FBB]  }
0x39: {  	_ = 	snop;
	(pc) =	sbr.ind lr, $3  }
0x3a: {  	_ = 	snop  }
0x3b: {  	_ = 	snop  }
0x3c: {  	p2 =	seq.s32 s10, $0x1;
	s10 =	sld [smem:$0x3FBA]  }
0x3d: {  	_ =	shalt  }
0x3e: {  	_ =	shalt  }
0x3f: {  	_ =	shalt  }
0x40: {  	_ =	shalt  }
0x41: {  	_ =	shalt  }
0x42: {  	_ =	shalt  }
0x43: {  	_ =	shalt  }
0x44: {  	_ =	shalt  }
0x45: {  	_ =	shalt  }
0x46: {  	_ =	shalt  }
0x47: {  	_ =	shalt  }
0x48: {  	_ =	shalt  }
0x49: {  	_ =	shalt  }
0x4a: {  	_ =	shalt  }
0x4b: {  	_ =	shalt  }
0x4c: {  	_ =	shalt  }
0x4d: {  	_ =	shalt  }
0x4e: {  	_ =	shalt  }
0x4f: {  	_ =	shalt  }
0x50: {  	_ =	shalt  }
0x51: {  	_ =	shalt  }
0x52: {  	_ =	shalt  }
0x53: {  	_ =	shalt  }
0x54: {  	_ =	shalt  }
0x55: {  	_ =	shalt  }
0x56: {  	_ =	shalt  }
0x57: {  	_ =	shalt  }
0x58: {  	_ =	shalt  }
0x59: {  	_ =	shalt  }
0x5a: {  	_ =	shalt  }
0x5b: {  	_ =	shalt  }
0x5c: {  	_ =	shalt  }
0x5d: {  	_ =	shalt  }
0x5e: {  	_ =	shalt  }
0x5f: {  	_ =	shalt  }
0x60: {  	_ =	shalt  }
0x61: {  	_ =	shalt  }
0x62: {  	_ =	shalt  }
0x63: {  	_ =	shalt  }
0x64: {  	_ =	shalt  }
0x65: {  	_ =	shalt  }
0x66: {  	_ =	shalt  }
0x67: {  	_ =	shalt  }
0x68: {  	_ =	shalt  }
0x69: {  	_ =	shalt  }
0x6a: {  	_ =	shalt  }
0x6b: {  	_ =	shalt  }
0x6c: {  	_ =	shalt  }
0x6d: {  	_ =	shalt  }
0x6e: {  	_ =	shalt  }
0x6f: {  	_ =	shalt  }
0x70: {  	_ =	shalt  }
0x71: {  	_ =	shalt  }
0x72: {  	_ =	shalt  }
0x73: {  	_ =	shalt  }
0x74: {  	_ =	shalt  }
0x75: {  	_ =	shalt  }
0x76: {  	_ =	shalt  }
0x77: {  	_ =	shalt  }
0x78: {  	_ =	shalt  }
0x79: {  	_ =	shalt  }
0x7a: {  	_ =	shalt  }
0x7b: {  	_ =	shalt  }
0x7c: {  	_ =	shalt  }
0x7d: {  	_ =	shalt  }
0x7e: {  	_ =	shalt  }
0x7f: {  	_ =	shalt  }
0x80: {  	_ =	shalt  }
0x81: {  	_ =	shalt  }
0x82: {  	_ =	shalt  }
0x83: {  	_ =	shalt  }
0x84: {  	_ =	shalt  }
0x85: {  	_ =	shalt  }
0x86: {  	_ =	shalt  }
0x87: {  	_ =	shalt  }
.Lfunc_end0:
.L_simem_size_0:
called_computation_lowered:
.L_overlay_start_0:
0x88: {  	s2 =	sld [smem:$0x3FD9]  }
0x89: {  	s3 =	sld [smem:$0x3FFE];
	_ =	sdelay $0x1  }
0x8a: {  	s1 =	srdreg.scid  }
0x8b: {  	s0 =	sand.u32 $0x1, s1  }
0x8c: {  	s18 =	sshll.u32 s0, $0xA;
	s2 =	sadd.s32 s3, s2  }
0x8d: {  	s2 =	sadd.s32 s2, s18  }
0x8e: {  	[smem:$0x3FC6] =	sst s2  }
0x8f: {  	_ = 	snop  }
0x90: {  	s2 =	sld [smem:$0x3FC9]  }
0x91: {  	s19 =	sld [smem:$0x3FC8]  }
0x92: {  	s4 =	sld [smem:$0x3FD0];
	(tm) =	ssettm $0x1  }
0x93: {  	s5 =	sld [smem:$0x3FFB];
	_ =	sdelay $0x3  }
0x94: {  	_ =	strace s5  }
0x95: {  	s5 =	sld [smem:$0x3FFC];
	_ =	sdelay $0x3  }
0x96: {  	_ =	strace s5  }
0x97: {  	s5 =	sld [smem:$0x3FFD];
	_ =	sdelay $0x3  }
0x98: {  	_ =	strace s5  }
0x99: {  	_ =	strace $0x8FFFFFFF  }
0x9a: {  	s20 =	sld [smem:$0x3FDB];
	_ =	sdelay $0x1  }
0x9b: {  	s6 =	simm.s32 $_scs_section_size  }
0x9c: {  	s7 =	simm.s32 $_size__tile_overlayer_lowered;
	s8 =	simm.s32 $_tile_overlayer_lowered  }
0x9d: {  	s23 =	simm.s32 $0x1BFF;
	s22 =	sshll.u32 s8, $0x1;
	s5 =	sadd.s32 s6, s20  }
0x9e: {  	s9 =	simm.s32 $0x0;
	s21 =	sshll.u32 s7, $0x1;
	s7 =	sadd.s32 s22, s5  }
0x9f: {  	[timem:s9], [sflag:s23] =	dma.local [hbm:s7], s21  }
0xa0: {  	_ =	swait.ge [sflag:s23], s21  }
0xa1: {  	s6 =	ssub.s32 $0x0, s21;
	[sflag:s23] =	ssyncset.done $0x0  }
0xa2: {  	[sflag:s23] =	ssyncadd.s32 s6;
	_ =	sdelay $0x1  }
0xa3: {  	s24 =	simm.s32 $0x1B8B  }
0xa4: {  	_ =	swait.ge [sflag:s24], $0x1  }
0xa5: {  	[sflag:s24] =	ssyncset.done $0x0  }
0xa6: {  	s25 =	simm.s32 $0x1B8E;
	[sflag:s24] =	ssyncadd.s32 $0xFFFFFFFF  }
0xa7: {  	s26 =	simm.s32 $execute0_lowered;
	[smem:$0x3FD2] =	sst s25  }
0xa8: {  	s6 =	sshll.u32 s26, $0x1;
	_ =	strace $0x80000046;
	[dreg:$0x1] =	wrdreg $0xFFFFFFFF  }
0xa9: {  	s28 =	simm.s32 $_size_execute0_lowered;
	s5 =	sadd.s32 s5, s6;
	[dreg:$0x0] =	wrdreg $0x0  }
0xaa: {  	s6 =	sshll.u32 s28, $0x1;
	[dreg:$0x2] =	wrdreg s5  }
0xab: {  	[dreg:$0x3] =	wrdreg s6  }
0xac: {  	[dreg:$0x4] =	wrdreg $0xC0  }
0xad: {  	_ =	task [dreg:s9], $0x5FFFF  }
0xae: {  	[dreg:$0x1] =	wrdreg $0xFFFFFFFF  }
0xaf: {  	[dreg:$0x0] =	wrdreg $0x60  }
0xb0: {  	[dreg:$0x2] =	wrdreg s2  }
0xb1: {  	[dreg:$0x3] =	wrdreg s19  }
0xb2: {  	[dreg:$0x4] =	wrdreg s4  }
0xb3: {  	[dreg:$0x5] =	wrdreg $0x9  }
0xb4: {  	_ =	task.clear_ibuf [dreg:s9], $0x6FFFF;
	_ =	strace $0x90000046  }
0xb5: {  	s29 =	simm.s32 $0x9;
	_ =	strace $0x80000048  }
0xb6: {  	_ =	swait.ge [sflag:s29], $0x1  }
0xb7: {  	[sflag:s29] =	ssyncadd.s32 $0xFFFFFFFF  }
0xb8: {  	_ =	strace $0x90000048  }
0xb9: {  	_ =	sfence  }
0xba: {  	s30 =	sld [smem:$0x0];
	_ =	sdelay $0x2  }
0xbb: {  	s31 =	sshll.u32 s1, $0xD;
	s1 =	sshrl.u32 s1, $0x2  }
0xbc: {  	s3 =	sand.u32 $0x4000, s31;
	s1 =	sadd.s32 s1, s30  }
0xbd: {  	s0 =	sor.u32 s3, s0;
	s1 =	sshll.u32 s1, $0x11  }
0xbe: {  	s0 =	sor.u32 s1, s0  }
0xbf: {  	s0 =	sadd.s32 $0x8F2B, s0  }
0xc0: {  	[sflag:s0] =	ssyncadd.remote.s32 $0x1  }
0xc1: {  	_ =	sfence.sel $0xFFFF  }
0xc2: {  	[dreg:$0x0] =	wrdreg $0xFFFFFFFF;
	(pc) =	sbr.abs _section_cstart, $3  }
0xc3: {  	[dreg:$0x1] =	wrdreg $0xFFFFFFFF  }
0xc4: {  	_ =	task.clear_ibuf [dreg:s9], $0x2FFFF;
	_ =	strace $0x9FFFFFFF  }
0xc5: {  	(tm) =	ssettm $0x7FFFFFFF  }
tec
execute0_lowered:
.L_overlay_start_1:
0x0: {  	(tag) =	ssettag $0x1  }
0x1: {  	s1 =	rddreg [dreg:$0x0];
	s2 =	srdreg.scid  }
0x2: {  	s4 =	rddreg [dreg:$0x1];
	s0 =	stileid.u32;
	s26 =	sand.u32 $0x1, s2  }
0x3: {  	s13 =	rddreg [dreg:$0x2];
	s5 =	sshll.u32 s0, $0xA;
	s6 =	sshll.u32 s26, $0x9  }
0x4: {  	s3 =	simm.s32 $0x0;
	s2 =	rddreg [dreg:$0x3];
	s11 =	sor.u32 s6, s5  }
0x5: {  	[smem:$0x7FF] =	sst s3;
	s5 =	sshrl.u32 s11, $0x3  }
0x6: {  	_ =	strace $0x80000047;
	s4 =	sadd.s32 s4, s5;
	s5 =	simm.s32 $0x3  }
0x7: {  	[tilespmem:s3], [sflag:$0x3] =	stream.linear.gather [hbm4b:s4+s3], $0x200, $0x38;
	[tilespmem:$0x10200] =	vst v63  }
0x8: {  	_ =	swait.ge [sflag:s5], $0x200  }
0x9: {  	[sflag:s5] =	ssyncset.done $0x0  }
0xa: {  	s7 =	simm.s32 $0x200;
	s6 =	simm.s32 $0x20;
	[sflag:s5] =	ssyncadd.s32 $0xFFFFFE00  }
0xb: {  	[tilespmem:s7], [sflag:$0x1] =	stream.indirect.gather [hbm4b:s1+s6], $0x80, s3, s6, $0xb8;
	[tilespmem:$0x10200] =	vst v63  }
0xc: {  	s8 =	simm.s32 $0x60;
	s9 =	simm.s32 $0x1200;
	s10 =	simm.s32 $0x1  }
0xd: {  	[tilespmem:s9], [sflag:$0x1] =	stream.indirect.gather [hbm4b:s1+s8], $0x80, s6, s8, $0xb8;
	[tilespmem:$0x10200] =	vst v63  }
0xe: {  	_ =	swait.ge [sflag:s10], $0x1000  }
0xf: {  	s12 =	simm.s32 $0x4200;
	[sflag:s10] =	ssyncset.done $0x0  }
0x10: {  	s14 =	sshll.u32 s11, $0x4;
	s11 =	simm.s32 $0x80;
	[sflag:s10] =	ssyncadd.s32 $0xFFFFF000  }
0x11: {  	[tilespmem:s12], [sflag:$0x1] =	stream.indirect.gather [hbm4b:s1+s11], $0x80, s11, s11, $0xb8;
	[tilespmem:$0x10200] =	vst v63  }
0x12: {  	s13 =	sadd.s32 s13, s14  }
0x13: {  	[hbm4b:s13+s3] =	stream.linear.scatter [tilespmem:s7], [sflag:$0x2], $0x1000, $0x38;
	[tilespmem:$0x10200] =	vst v63  }
0x14: {  	_ =	swait.ge [sflag:s10], $0x3000  }
0x15: {  	[sflag:s10] =	ssyncset.done $0x0  }
0x16: {  	s15 =	simm.s32 $0x8200;
	s14 =	simm.s32 $0x100;
	[sflag:s10] =	ssyncadd.s32 $0xFFFFD000  }
0x17: {  	[tilespmem:s15], [sflag:$0x1] =	stream.indirect.gather [hbm4b:s1+s11], $0x80, s14, s11, $0xb8;
	[tilespmem:$0x10200] =	vst v63  }
0x18: {  	s16 =	sadd.s32 $0x200, s13  }
0x19: {  	[hbm4b:s16+s3] =	stream.linear.scatter [tilespmem:s9], [sflag:$0x2], $0x3000, $0x38;
	[tilespmem:$0x10200] =	vst v63  }
0x1a: {  	_ =	swait.ge [sflag:s10], $0x4000  }
0x1b: {  	[sflag:s10] =	ssyncset.done $0x0  }
0x1c: {  	s17 =	simm.s32 $0x180;
	s18 =	simm.s32 $0xC200;
	[sflag:s10] =	ssyncadd.s32 $0xFFFFC000  }
0x1d: {  	[tilespmem:s18], [sflag:$0x1] =	stream.indirect.gather [hbm4b:s1+s8], $0x80, s17, s8, $0xb8;
	[tilespmem:$0x10200] =	vst v63  }
0x1e: {  	s19 =	sadd.s32 $0x800, s13  }
0x1f: {  	[hbm4b:s19+s3] =	stream.linear.scatter [tilespmem:s12], [sflag:$0x2], $0x4000, $0x38;
	[tilespmem:$0x10200] =	vst v63  }
0x20: {  	_ =	swait.ge [sflag:s10], $0x4000  }
0x21: {  	[sflag:s10] =	ssyncset.done $0x0  }
0x22: {  	s20 =	simm.s32 $0x1E0;
	s21 =	simm.s32 $0xF200;
	[sflag:s10] =	ssyncadd.s32 $0xFFFFC000  }
0x23: {  	[tilespmem:s21], [sflag:$0x1] =	stream.indirect.gather [hbm4b:s1+s6], $0x80, s20, s6, $0xb8;
	[tilespmem:$0x10200] =	vst v63  }
0x24: {  	s22 =	sadd.s32 $0x1000, s13  }
0x25: {  	[hbm4b:s22+s3] =	stream.linear.scatter [tilespmem:s15], [sflag:$0x2], $0x4000, $0x38;
	[tilespmem:$0x10200] =	vst v63  }
0x26: {  	_ =	swait.ge [sflag:s10], $0x3000  }
0x27: {  	[sflag:s10] =	ssyncset.done $0x0  }
0x28: {  	s23 =	sadd.s32 $0x1800, s13;
	[sflag:s10] =	ssyncadd.s32 $0xFFFFD000  }
0x29: {  	[hbm4b:s23+s3] =	stream.linear.scatter [tilespmem:s18], [sflag:$0x2], $0x3000, $0x38;
	[tilespmem:$0x10200] =	vst v63  }
0x2a: {  	_ =	swait.ge [sflag:s10], $0x1000  }
0x2b: {  	[sflag:s10] =	ssyncset.done $0x0  }
0x2c: {  	s25 =	simm.s32 $0x2;
	s24 =	sadd.s32 $0x1E00, s13;
	[sflag:s10] =	ssyncadd.s32 $0xFFFFF000  }
0x2d: {  	[hbm4b:s24+s3] =	stream.linear.scatter [tilespmem:s21], [sflag:$0x2], $0x1000, $0x38;
	[tilespmem:$0x10200] =	vst v63  }
0x2e: {  	_ =	swait.ge [sflag:s25], $0x1000  }
0x2f: {  	[sflag:s25] =	ssyncset.done $0x0  }
0x30: {  	[sflag:s25] =	ssyncadd.s32 $0xFFFFF000  }
0x31: {  	_ =	swait.ge [sflag:s25], $0x3000  }
0x32: {  	[sflag:s25] =	ssyncset.done $0x0  }
0x33: {  	[sflag:s25] =	ssyncadd.s32 $0xFFFFD000  }
0x34: {  	_ =	swait.ge [sflag:s25], $0x4000  }
0x35: {  	s26 =	ssub.s32 $0x2, s26;
	[sflag:s25] =	ssyncset.done $0x0  }
0x36: {  	s28 =	sshrl.u32 s26, $0x1;
	[sflag:s25] =	ssyncadd.s32 $0xFFFFC000  }
0x37: {  	s26 =	ssub.s32 s26, s28;
	_ =	swait.ge [sflag:s25], $0x4000  }
0x38: {  	s26 =	smax.u32 s26, $0x1;
	[sflag:s25] =	ssyncset.done $0x0  }
0x39: {  	p0 =	sne.s32 s26, $0x1;
	[sflag:s25] =	ssyncadd.s32 $0xFFFFC000  }
.Ltmp0:
0x3a: {  	_ =	swait.ge [sflag:s25], $0x3000;
	(pc) =	sbr.rel @!p0 .LBB2_2-.Ltmp0, $4  }
0x3b: {  	[sflag:s25] =	ssyncset.done $0x0  }
0x3c: {  	[sflag:s25] =	ssyncadd.s32 $0xFFFFD000  }
0x3d: {  	_ =	swait.ge [sflag:s25], $0x1000  }
0x3e: {  	s26 =	sadd.s32 $0xFFFFFFFF, s26;
	[sflag:s25] =	ssyncset.done $0x0  }
.LBB2_1:
0x3f: {  	p0 =	sne.s32 s26, $0x1;
	s26 =	sadd.s32 $0xFFFFFFFF, s26;
	[sflag:s25] =	ssyncadd.s32 $0xFFFFF000  }
0x40: {  	[tilespmem:s3], [sflag:$0x3] =	stream.linear.gather [hbm4b:s4+s3], $0x200, $0x38;
	[tilespmem:$0x10200] =	vst v63  }
0x41: {  	_ =	swait.ge [sflag:s5], $0x200  }
0x42: {  	[sflag:s5] =	ssyncset.done $0x0  }
0x43: {  	[sflag:s5] =	ssyncadd.s32 $0xFFFFFE00  }
0x44: {  	[tilespmem:s7], [sflag:$0x1] =	stream.indirect.gather [hbm4b:s1+s6], $0x80, s3, s6, $0xb8;
	[tilespmem:$0x10200] =	vst v63  }
0x45: {  	_ = 	snop  }
0x46: {  	[tilespmem:s9], [sflag:$0x1] =	stream.indirect.gather [hbm4b:s1+s8], $0x80, s6, s8, $0xb8;
	[tilespmem:$0x10200] =	vst v63  }
0x47: {  	_ =	swait.ge [sflag:s10], $0x1000  }
0x48: {  	[sflag:s10] =	ssyncset.done $0x0  }
0x49: {  	[sflag:s10] =	ssyncadd.s32 $0xFFFFF000  }
0x4a: {  	[tilespmem:s12], [sflag:$0x1] =	stream.indirect.gather [hbm4b:s1+s11], $0x80, s11, s11, $0xb8;
	[tilespmem:$0x10200] =	vst v63  }
0x4b: {  	_ = 	snop  }
0x4c: {  	[hbm4b:s13+s3] =	stream.linear.scatter [tilespmem:s7], [sflag:$0x2], $0x1000, $0x38;
	[tilespmem:$0x10200] =	vst v63  }
0x4d: {  	_ =	swait.ge [sflag:s10], $0x3000  }
0x4e: {  	[sflag:s10] =	ssyncset.done $0x0  }
0x4f: {  	[sflag:s10] =	ssyncadd.s32 $0xFFFFD000  }
0x50: {  	[tilespmem:s15], [sflag:$0x1] =	stream.indirect.gather [hbm4b:s1+s11], $0x80, s14, s11, $0xb8;
	[tilespmem:$0x10200] =	vst v63  }
0x51: {  	_ = 	snop  }
0x52: {  	[hbm4b:s16+s3] =	stream.linear.scatter [tilespmem:s9], [sflag:$0x2], $0x3000, $0x38;
	[tilespmem:$0x10200] =	vst v63  }
0x53: {  	_ =	swait.ge [sflag:s10], $0x4000  }
0x54: {  	[sflag:s10] =	ssyncset.done $0x0  }
0x55: {  	[sflag:s10] =	ssyncadd.s32 $0xFFFFC000  }
0x56: {  	[tilespmem:s18], [sflag:$0x1] =	stream.indirect.gather [hbm4b:s1+s8], $0x80, s17, s8, $0xb8;
	[tilespmem:$0x10200] =	vst v63  }
0x57: {  	_ = 	snop  }
0x58: {  	[hbm4b:s19+s3] =	stream.linear.scatter [tilespmem:s12], [sflag:$0x2], $0x4000, $0x38;
	[tilespmem:$0x10200] =	vst v63  }
0x59: {  	_ =	swait.ge [sflag:s10], $0x4000  }
0x5a: {  	[sflag:s10] =	ssyncset.done $0x0  }
0x5b: {  	[sflag:s10] =	ssyncadd.s32 $0xFFFFC000  }
0x5c: {  	[tilespmem:s21], [sflag:$0x1] =	stream.indirect.gather [hbm4b:s1+s6], $0x80, s20, s6, $0xb8;
	[tilespmem:$0x10200] =	vst v63  }
0x5d: {  	_ = 	snop  }
0x5e: {  	[hbm4b:s22+s3] =	stream.linear.scatter [tilespmem:s15], [sflag:$0x2], $0x4000, $0x38;
	[tilespmem:$0x10200] =	vst v63  }
0x5f: {  	_ =	swait.ge [sflag:s10], $0x3000  }
0x60: {  	[sflag:s10] =	ssyncset.done $0x0  }
0x61: {  	[sflag:s10] =	ssyncadd.s32 $0xFFFFD000  }
0x62: {  	[hbm4b:s23+s3] =	stream.linear.scatter [tilespmem:s18], [sflag:$0x2], $0x3000, $0x38;
	[tilespmem:$0x10200] =	vst v63  }
0x63: {  	_ =	swait.ge [sflag:s10], $0x1000  }
0x64: {  	[sflag:s10] =	ssyncset.done $0x0  }
0x65: {  	[sflag:s10] =	ssyncadd.s32 $0xFFFFF000  }
0x66: {  	[hbm4b:s24+s3] =	stream.linear.scatter [tilespmem:s21], [sflag:$0x2], $0x1000, $0x38;
	[tilespmem:$0x10200] =	vst v63  }
0x67: {  	_ =	swait.ge [sflag:s25], $0x1000  }
0x68: {  	[sflag:s25] =	ssyncset.done $0x0  }
0x69: {  	[sflag:s25] =	ssyncadd.s32 $0xFFFFF000  }
0x6a: {  	_ =	swait.ge [sflag:s25], $0x3000  }
0x6b: {  	[sflag:s25] =	ssyncset.done $0x0  }
0x6c: {  	[sflag:s25] =	ssyncadd.s32 $0xFFFFD000  }
0x6d: {  	_ =	swait.ge [sflag:s25], $0x4000  }
0x6e: {  	[sflag:s25] =	ssyncset.done $0x0  }
0x6f: {  	[sflag:s25] =	ssyncadd.s32 $0xFFFFC000  }
0x70: {  	_ =	swait.ge [sflag:s25], $0x4000  }
0x71: {  	[sflag:s25] =	ssyncset.done $0x0  }
0x72: {  	[sflag:s25] =	ssyncadd.s32 $0xFFFFC000  }
.Ltmp1:
0x73: {  	_ =	swait.ge [sflag:s25], $0x3000;
	(pc) =	sbr.rel @p0 .LBB2_1-.Ltmp1, $4  }
0x74: {  	[sflag:s25] =	ssyncset.done $0x0  }
0x75: {  	[sflag:s25] =	ssyncadd.s32 $0xFFFFD000  }
0x76: {  	_ =	swait.ge [sflag:s25], $0x1000  }
0x77: {  	[sflag:s25] =	ssyncset.done $0x0  }
.LBB2_2:
0x78: {  	[sflag:s25] =	ssyncadd.s32 $0xFFFFF000  }
0x79: {  	_ =	sfence.sel $0x180000  }
0x7a: {  	[bflag:$0x0] =	sbarrier.arrive $0xFFFF  }
0x7b: {  	p0 =	sne.s32 s0, $0x0;
	_ =	strace $0x90000047  }
0x7c: {  	s0 =	sadd.s32 @!p0 $0x100000, s2;
	[bflag:$0x2] =	sbarrier.arrive $0xFFFF  }
0x7d: {  	[sflag:s0] =	ssyncadd.tile.s32 @!p0 $0x1;
	_ =	shalt  }
.Lfunc_end2:
_tile_overlayer_lowered:
.L_overlay_start_2:
0x7e: {  	(tag) =	ssettag $0x2  }
0x7f: {  	s0 =	rddreg [dreg:$0x0];
	s2 =	stileid.u32  }
0x80: {  	s1 =	rddreg [dreg:$0x1];
	p0 =	sne.s32 s2, $0x0  }
0x81: {  	s3 =	rddreg [dreg:$0x2];
	[bflag:$0x3] =	sbarrier.arrive $0xFFFF;
	s2 =	simm.s32 @!p0 $0x1C03  }
0x82: {  	[timem:s3], [sflag:s2] =	dma.local @!p0 [hbm:s0], s1  }
0x83: {  	s0 =	simm.s32 @!p0 $0x3  }
0x84: {  	_ =	swait.ge @!p0 [sflag:s0], s1  }
0x85: {  	s1 =	ssub.s32 @!p0 $0x0, s1;
	[sflag:s0] =	ssyncset.done @!p0 $0x0  }
0x86: {  	[sflag:s0] =	ssyncadd.s32 @!p0 s1  }
0x87: {  	[bflag:$0x3] =	sbarrier.arrive $0xFFFF  }
0x88: {  	_ =	shalt  }

</sc_bundles>
